<compile_context>
chip_gen: v7x
topology: tpu7x:2x2x1
jax: 0.10.2.dev20260603
libtpu: 0.0.44.dev20260713+nightly
codegen_flags: <defaults>
</compile_context>

<pallas_src>
import functools

import jax
import jax.numpy as jnp
from jax import lax
from jax.experimental import pallas as pl
from jax.experimental.pallas import tpu as pltpu
from jax.experimental.pallas import tpu_sc as plsc

_NUM_GROUPS = 2
_NUM_VECTORS = 320
_GUMBEL_KEY = 1234


def _tc_body(x_ref, w_ref, b_ref, g_ref, idx_ref, ent_ref):
    i = pl.program_id(0)
    n = x_ref.shape[0]
    v = _NUM_VECTORS
    scores = jnp.dot(x_ref[...], w_ref[...], preferred_element_type=jnp.float32)
    scores = scores + b_ref[...] + g_ref[...]
    ent = jnp.zeros((), jnp.float32)
    for gi in range(_NUM_GROUPS):
        s = scores[:, gi * v:(gi + 1) * v]
        m = jnp.max(s, axis=1, keepdims=True)
        iota = lax.broadcasted_iota(jnp.int32, (n, v), 1)
        a = jnp.min(jnp.where(s == m, iota, v), axis=1).astype(jnp.int32)
        idx_ref[gi, :] = a + gi * v
        onehot = (iota == a[:, None]).astype(jnp.float32)
        cnt = jnp.sum(onehot, axis=0, keepdims=True)
        p = jax.nn.softmax(cnt, axis=-1)
        ent = ent - jnp.sum(p * jnp.log(p + 1e-8))
    contrib = (ent / float(_NUM_GROUPS * _NUM_VECTORS)).reshape(1, 1)

    @pl.when(i == 0)
    def _():
        ent_ref[...] = contrib

    @pl.when(i > 0)
    def _():
        ent_ref[...] = ent_ref[...] + contrib


def _make_sc_gather(n_rows, d, n_tab):
    info = plsc.get_sparse_core_info()
    nc, ns = info.num_cores, info.num_subcores
    nw = nc * ns
    assert n_rows % (8 * nw) == 0
    rows_per_w = n_rows // nw
    mesh = plsc.VectorSubcoreMesh(core_axis_name="c", subcore_axis_name="s")

    @functools.partial(
        pl.kernel,
        mesh=mesh,
        out_type=jax.ShapeDtypeStruct((n_rows, d), jnp.float32),
        scratch_types=[
            pltpu.VMEM((rows_per_w,), jnp.int32),
            pltpu.VMEM((rows_per_w, d), jnp.float32),
            pltpu.SemaphoreType.DMA,
        ],
    )
    def sc_gather(table_hbm, idx_hbm, out_hbm, idx_v, rows_v, sem):
        wid = lax.axis_index("s") * nc + lax.axis_index("c")
        base = wid * rows_per_w
        pltpu.sync_copy(idx_hbm.at[pl.ds(base, rows_per_w)], idx_v)
        pltpu.async_copy(table_hbm.at[idx_v], rows_v, sem).wait()
        pltpu.sync_copy(rows_v, out_hbm.at[pl.ds(base, rows_per_w)])

    return sc_gather


def kernel(x, W, b, codebook):
    B, N, E = x.shape
    G, V, D = codebook.shape[1], codebook.shape[2], codebook.shape[3]
    T = B * N
    u = jax.random.uniform(jax.random.key(_GUMBEL_KEY), (B, N, G, V),
                           minval=1e-10, maxval=1.0)
    g = -jnp.log(-jnp.log(u))

    xf = x.reshape(T, E)
    gf = g.reshape(T, G * V)
    bf = b.reshape(1, G * V)

    idx_gt, ent = pl.pallas_call(
        _tc_body,
        grid=(B,),
        in_specs=[
            pl.BlockSpec((N, E), lambda i: (i, 0)),
            pl.BlockSpec((E, G * V), lambda i: (0, 0)),
            pl.BlockSpec((1, G * V), lambda i: (0, 0)),
            pl.BlockSpec((N, G * V), lambda i: (i, 0)),
        ],
        out_specs=[
            pl.BlockSpec((G, N), lambda i: (0, i)),
            pl.BlockSpec((1, 1), lambda i: (0, 0)),
        ],
        out_shape=[
            jax.ShapeDtypeStruct((G, T), jnp.int32),
            jax.ShapeDtypeStruct((1, 1), jnp.float32),
        ],
    )(xf, W, bf, gf)

    idx_flat = idx_gt.T.reshape(T * G)
    table = codebook[0].reshape(G * V, D)
    rows = _make_sc_gather(T * G, D, G * V)(table, idx_flat)
    code_vector = rows.reshape(B, N, G * D)
    return code_vector, ent[0, 0]

# --- scband reference (transcript-rebuilt; emitter-appended) ---
"""Pipeline reference for scband-gumbel-vector-quantizer-45406394253331 (READ-ONLY COPY).

The authoritative reference and input builder live on the scoring server;
editing this copy changes nothing except your own understanding.
"""

import jax, jax.numpy as jnp
import numpy as np

NUM_GROUPS = 2
NUM_VECTORS = 320
TEMPERATURE = 2.0


def setup_inputs(seed: int = 0):
    key = jax.random.key(seed)
    k1, k2, k3, k4 = jax.random.split(key, 4)
    x = jax.random.normal(k1, (8, 256, 768), dtype=jnp.float32)
    W = jax.random.normal(k2, (768, NUM_GROUPS * NUM_VECTORS), dtype=jnp.float32) * 0.02
    b = jnp.zeros((NUM_GROUPS * NUM_VECTORS,), dtype=jnp.float32)
    codebook = jax.random.normal(k4, (1, NUM_GROUPS, NUM_VECTORS, 768 // NUM_GROUPS), dtype=jnp.float32)
    return {"x": x, "W": W, "b": b, "codebook": codebook}


def _gumbel_softmax_hard(logits, tau, key):
    u = jax.random.uniform(key, logits.shape, minval=1e-10, maxval=1.0)
    g = -jnp.log(-jnp.log(u))
    y_soft = jax.nn.softmax((logits + g) / tau, axis=-1)
    idx = jnp.argmax(y_soft, axis=-1)
    y_hard = jax.nn.one_hot(idx, logits.shape[-1], dtype=y_soft.dtype)
    # straight-through estimator, same as torch gumbel_softmax(hard=True)
    return jax.lax.stop_gradient(y_hard - y_soft) + y_soft


def reference(x, W, b, codebook):
    B, N, E = x.shape
    G = codebook.shape[1]
    V = codebook.shape[2]
    D = codebook.shape[3]
    hidden = jnp.dot(x, W) + b
    hidden = hidden.reshape(B, N, G, V)
    code_vector_prob = _gumbel_softmax_hard(hidden, TEMPERATURE, jax.random.key(1234))
    prob_c = code_vector_prob.reshape(B * N, G, V)
    # equivalent to (prob_c[..., None] * codebook).sum(axis=2), computed as a contraction
    code_vectors = jnp.einsum('tgv,gvd->tgd', prob_c, codebook[0])
    code_vector = code_vectors.reshape(B, N, G * D)
    p = jnp.transpose(code_vector_prob, (0, 2, 1, 3)).sum(axis=2)
    p = jax.nn.softmax(p, axis=-1)
    entropy = -(p * jnp.log(p + 1e-08)).sum() / (G * V)
    return (code_vector, entropy)

if __name__ == "__main__":
    import jax
    _d = setup_inputs()
    print(jax.jit(kernel)(*tuple(_d.values())))

</pallas_src>

<mosaic_0001>
#map = affine_map<(d0, d1) -> (0, 0)>
#map1 = affine_map<(d0, d1) -> (0)>
module attributes {stable_mosaic.version = 14 : i64} {
  func.func @sc_gather(%arg0: i32, %arg1: i32, %arg2: memref<640x384xf32, #tpu.memory_space<hbm>>, %arg3: memref<4096xi32, #tpu.memory_space<hbm>>, %arg4: memref<4096x384xf32, #tpu.memory_space<hbm>>, %arg5: memref<128xi32, #tpu.memory_space<vmem>>, %arg6: memref<128x384xf32, #tpu.memory_space<vmem>>, %arg7: memref<!tpu.dma_semaphore, #tpu.memory_space<semaphore_mem>>) attributes {dimension_semantics = [#tpu.dimension_semantics<core_parallel>, #tpu.dimension_semantics<subcore_parallel>], iteration_bounds = array<i64: 2, 16>, scalar_prefetch = 0 : i64, scratch_operands = 3 : i64, tpu.core_type = #tpu.core_type<sc_vector_subcore>, window_params = [{transform_indices = #map}, {transform_indices = #map1}, {transform_indices = #map}]} {
    %mul3A = arith.constant 2 : i32
    %mul3A_0 = arith.muli %arg1, %mul3A : i32
    %add3A = arith.addi %mul3A_0, %arg0 : i32
    %mul3A_1 = arith.constant 128 : i32
    %mul3A_2 = arith.muli %add3A, %mul3A_1 : i32
    "tpu.region"() ({
      %run_scoped3A = tpu.sem_alloc : memref<!tpu.dma_semaphore, #tpu.memory_space<semaphore_mem>>
      %dma_start3A_7 = tpu.memref_slice %arg3[%mul3A_2] : memref<4096xi32, #tpu.memory_space<hbm>> -> memref<128xi32, #tpu.memory_space<hbm>>
      %dma_start3A_8 = tpu.memref_slice %arg3[%mul3A_2] : memref<4096xi32, #tpu.memory_space<hbm>> -> memref<128xi32, #tpu.memory_space<hbm>>
      tpu.enqueue_dma source(%dma_start3A_8 : memref<128xi32, #tpu.memory_space<hbm>>) target(%arg5 : memref<128xi32, #tpu.memory_space<vmem>>) target_semaphore(%run_scoped3A : memref<!tpu.dma_semaphore, #tpu.memory_space<semaphore_mem>>)
      %dma_wait3A_9 = tpu.memref_slice %arg3[%mul3A_2] : memref<4096xi32, #tpu.memory_space<hbm>> -> memref<128xi32, #tpu.memory_space<hbm>>
      %dma_wait3A_10 = tpu.memref_slice %arg3[%mul3A_2] : memref<4096xi32, #tpu.memory_space<hbm>> -> memref<128xi32, #tpu.memory_space<hbm>>
      tpu.wait_dma2 semaphore(%run_scoped3A : memref<!tpu.dma_semaphore, #tpu.memory_space<semaphore_mem>>) src(%dma_wait3A_10 : memref<128xi32, #tpu.memory_space<hbm>>) dst(%arg5 : memref<128xi32, #tpu.memory_space<vmem>>)
      tpu.yield
    }) : () -> ()
    %dma_start3A = arith.constant 0 : i32
    %dma_start3A_3 = arith.constant 0 : i32
    %dma_start3A_4 = tpu.memref_slice %arg2[%dma_start3A, %dma_start3A_3] : memref<640x384xf32, #tpu.memory_space<hbm>> -> memref<640x384xf32, #tpu.memory_space<hbm>>
    tpu.enqueue_indirect_dma source(%dma_start3A_4 : memref<640x384xf32, #tpu.memory_space<hbm>>) target(%arg6 : memref<128x384xf32, #tpu.memory_space<vmem>>) offsets(%arg5 : memref<128xi32, #tpu.memory_space<vmem>>) semaphore(%arg7 : memref<!tpu.dma_semaphore, #tpu.memory_space<semaphore_mem>>)
    %dma_wait3A = arith.constant 0 : i32
    %dma_wait3A_5 = arith.constant 0 : i32
    %dma_wait3A_6 = tpu.memref_slice %arg2[%dma_wait3A, %dma_wait3A_5] : memref<640x384xf32, #tpu.memory_space<hbm>> -> memref<640x384xf32, #tpu.memory_space<hbm>>
    tpu.wait_indirect_dma semaphore(%arg7 : memref<!tpu.dma_semaphore, #tpu.memory_space<semaphore_mem>>) src(%dma_wait3A_6 : memref<640x384xf32, #tpu.memory_space<hbm>>) dst(%arg6 : memref<128x384xf32, #tpu.memory_space<vmem>>)
    "tpu.region"() ({
      %run_scoped3A = tpu.sem_alloc : memref<!tpu.dma_semaphore, #tpu.memory_space<semaphore_mem>>
      %dma_start3A_7 = arith.constant 0 : i32
      %dma_start3A_8 = tpu.memref_slice %arg4[%mul3A_2, %dma_start3A_7] : memref<4096x384xf32, #tpu.memory_space<hbm>> -> memref<128x384xf32, #tpu.memory_space<hbm>>
      %dma_start3A_9 = arith.constant 0 : i32
      %dma_start3A_10 = tpu.memref_slice %arg4[%mul3A_2, %dma_start3A_9] : memref<4096x384xf32, #tpu.memory_space<hbm>> -> memref<128x384xf32, #tpu.memory_space<hbm>>
      tpu.enqueue_dma source(%arg6 : memref<128x384xf32, #tpu.memory_space<vmem>>) target(%dma_start3A_10 : memref<128x384xf32, #tpu.memory_space<hbm>>) target_semaphore(%run_scoped3A : memref<!tpu.dma_semaphore, #tpu.memory_space<semaphore_mem>>)
      %dma_wait3A_11 = arith.constant 0 : i32
      %dma_wait3A_12 = tpu.memref_slice %arg4[%mul3A_2, %dma_wait3A_11] : memref<4096x384xf32, #tpu.memory_space<hbm>> -> memref<128x384xf32, #tpu.memory_space<hbm>>
      %dma_wait3A_13 = arith.constant 0 : i32
      %dma_wait3A_14 = tpu.memref_slice %arg4[%mul3A_2, %dma_wait3A_13] : memref<4096x384xf32, #tpu.memory_space<hbm>> -> memref<128x384xf32, #tpu.memory_space<hbm>>
      tpu.wait_dma2 semaphore(%run_scoped3A : memref<!tpu.dma_semaphore, #tpu.memory_space<semaphore_mem>>) src(%arg6 : memref<128x384xf32, #tpu.memory_space<vmem>>) dst(%dma_wait3A_14 : memref<128x384xf32, #tpu.memory_space<hbm>>)
      tpu.yield
    }) : () -> ()
    return
  }
}

module attributes {stable_mosaic.version = 14 : i64} {
  func.func @_tc_body(%arg0: i32, %arg1: memref<256x768xf32, #tpu.memory_space<vmem>>, %arg2: memref<768x640xf32, #tpu.memory_space<vmem>>, %arg3: memref<1x640xf32, #tpu.memory_space<vmem>>, %arg4: memref<256x640xf32, #tpu.memory_space<vmem>>, %arg5: memref<2x256xi32, #tpu.memory_space<vmem>>, %arg6: memref<1x1xf32, #tpu.memory_space<vmem>>) attributes {dimension_semantics = [#tpu.dimension_semantics<arbitrary>], iteration_bounds = array<i64: 8>, scalar_prefetch = 0 : i64, scratch_operands = 0 : i64, tpu.core_type = #tpu.core_type<tc>, window_params = [{transform_indices = @transform_0, window_bounds = array<i64: 256, 768>}, {pipeline_mode = #tpu.pipeline_mode<synchronous>, transform_indices = @transform_1, window_bounds = array<i64: 768, 640>}, {pipeline_mode = #tpu.pipeline_mode<synchronous>, transform_indices = @transform_2, window_bounds = array<i64: 1, 640>}, {transform_indices = @transform_3, window_bounds = array<i64: 256, 640>}, {transform_indices = @transform_4, window_bounds = array<i64: 2, 256>}, {pipeline_mode = #tpu.pipeline_mode<synchronous>, transform_indices = @transform_5, window_bounds = array<i64: 1, 1>}]} {
    %get3A = arith.constant 0 : index
    %get3A_0 = arith.constant 0 : index
    %get3A_1 = vector.load %arg1[%get3A, %get3A_0] : memref<256x768xf32, #tpu.memory_space<vmem>>, vector<256x768xf32>
    %get3A_2 = arith.constant 0 : index
    %get3A_3 = arith.constant 0 : index
    %get3A_4 = vector.load %arg2[%get3A_2, %get3A_3] : memref<768x640xf32, #tpu.memory_space<vmem>>, vector<768x640xf32>
    %dot_general3A = arith.constant dense<0.000000e+00> : vector<256x640xf32>
    %dot_general3A_5 = tpu.matmul %get3A_1, %get3A_4, %dot_general3A {dimension_numbers = #tpu.dot_dimension_numbers<[1], [0], [0], [1], [0, 0, 1, 1], [], []>, transpose_lhs_hint = false} : vector<256x768xf32>, vector<768x640xf32>, vector<256x640xf32> -> vector<256x640xf32>
    %get3A_6 = arith.constant 0 : index
    %get3A_7 = arith.constant 0 : index
    %get3A_8 = vector.load %arg3[%get3A_6, %get3A_7] : memref<1x640xf32, #tpu.memory_space<vmem>>, vector<1x640xf32>
    %add3A = vector.broadcast %get3A_8 : vector<1x640xf32> to vector<256x640xf32>
    %add3A_9 = arith.addf %dot_general3A_5, %add3A : vector<256x640xf32>
    %get3A_10 = arith.constant 0 : index
    %get3A_11 = arith.constant 0 : index
    %get3A_12 = vector.load %arg4[%get3A_10, %get3A_11] : memref<256x640xf32, #tpu.memory_space<vmem>>, vector<256x640xf32>
    %add3A_13 = arith.addf %add3A_9, %get3A_12 : vector<256x640xf32>
    %slice3A = vector.extract_strided_slice %add3A_13 {offsets = [0, 0], sizes = [256, 320], strides = [1, 1]} : vector<256x640xf32> to vector<256x320xf32>
    %reduce_max3A = arith.constant dense<0xFF800000> : vector<256xf32>
    %reduce_max3A_14 = vector.multi_reduction <maximumf>, %slice3A, %reduce_max3A [1] : vector<256x320xf32> to vector<256xf32>
    %broadcast_in_dim3A = vector.shape_cast %reduce_max3A_14 : vector<256xf32> to vector<256x1xf32>
    %iota3A = tpu.iota {dimensions = array<i32: 1>} : vector<256x320xi32>
    %eq3A = vector.broadcast %broadcast_in_dim3A : vector<256x1xf32> to vector<256x320xf32>
    %eq3A_15 = arith.cmpf oeq, %slice3A, %eq3A : vector<256x320xf32>
    %jit3A = arith.constant 320 : i32
    %broadcast_in_dim3A_16 = vector.broadcast %jit3A : i32 to vector<256x320xi32>
    %select_n3A = arith.select %eq3A_15, %iota3A, %broadcast_in_dim3A_16 : vector<256x320xi1>, vector<256x320xi32>
    %reduce_min3A = arith.constant dense<2147483647> : vector<256xi32>
    %reduce_min3A_17 = vector.multi_reduction <minsi>, %select_n3A, %reduce_min3A [1] : vector<256x320xi32> to vector<256xi32>
    %add3A_18 = arith.constant 0 : i32
    %add3A_19 = vector.broadcast %add3A_18 : i32 to vector<256xi32>
    %add3A_20 = arith.addi %reduce_min3A_17, %add3A_19 : vector<256xi32>
    %swap3A = arith.constant 0 : index
    %swap3A_21 = arith.constant 0 : index
    %swap3A_22 = vector.load %arg5[%swap3A, %swap3A_21] : memref<2x256xi32, #tpu.memory_space<vmem>>, vector<1x256xi32>
    %swap3A_23 = vector.shape_cast %swap3A_22 : vector<1x256xi32> to vector<256xi32>
    %swap3A_24 = vector.shape_cast %add3A_20 : vector<256xi32> to vector<1x256xi32>
    tpu.vector_store %arg5[%swap3A, %swap3A_21], %swap3A_24 {strides = array<i32>} : memref<2x256xi32, #tpu.memory_space<vmem>>, vector<1x256xi32>,
    %broadcast_in_dim3A_25 = vector.shape_cast %reduce_min3A_17 : vector<256xi32> to vector<256x1xi32>
    %eq3A_26 = vector.broadcast %broadcast_in_dim3A_25 : vector<256x1xi32> to vector<256x320xi32>
    %eq3A_27 = arith.cmpi eq, %iota3A, %eq3A_26 : vector<256x320xi32>
    %convert_element_type3A = arith.extui %eq3A_27 : vector<256x320xi1> to vector<256x320xi32>
    %convert_element_type3A_28 = arith.sitofp %convert_element_type3A : vector<256x320xi32> to vector<256x320xf32>
    %reduce_sum3A = arith.constant dense<0.000000e+00> : vector<320xf32>
    %reduce_sum3A_29 = vector.multi_reduction <add>, %convert_element_type3A_28, %reduce_sum3A [0] : vector<256x320xf32> to vector<320xf32>
    %broadcast_in_dim3A_30 = vector.shape_cast %reduce_sum3A_29 : vector<320xf32> to vector<1x320xf32>
    %reduce_max3A_31 = arith.constant dense<0xFF800000> : vector<1xf32>
    %reduce_max3A_32 = vector.multi_reduction <maximumf>, %broadcast_in_dim3A_30, %reduce_max3A_31 [1] : vector<1x320xf32> to vector<1xf32>
    %max3A = arith.constant 0xFF800000 : f32
    %max3A_33 = vector.broadcast %max3A : f32 to vector<1xf32>
    %max3A_34 = arith.maximumf %max3A_33, %reduce_max3A_32 : vector<1xf32>
    %broadcast_in_dim3A_35 = vector.shape_cast %max3A_34 : vector<1xf32> to vector<1x1xf32>
    %sub3A = vector.broadcast %broadcast_in_dim3A_35 : vector<1x1xf32> to vector<1x320xf32>
    %sub3A_36 = arith.subf %broadcast_in_dim3A_30, %sub3A : vector<1x320xf32>
    %exp3A = math.exp %sub3A_36 : vector<1x320xf32>
    %reduce_sum3A_37 = arith.constant dense<0.000000e+00> : vector<1xf32>
    %reduce_sum3A_38 = vector.multi_reduction <add>, %exp3A, %reduce_sum3A_37 [1] : vector<1x320xf32> to vector<1xf32>
    %broadcast_in_dim3A_39 = vector.shape_cast %reduce_sum3A_38 : vector<1xf32> to vector<1x1xf32>
    %div3A = vector.broadcast %broadcast_in_dim3A_39 : vector<1x1xf32> to vector<1x320xf32>
    %div3A_40 = arith.divf %exp3A, %div3A : vector<1x320xf32>
    %add3A_41 = arith.constant 9.99999993E-9 : f32
    %add3A_42 = vector.broadcast %add3A_41 : f32 to vector<1x320xf32>
    %add3A_43 = arith.addf %div3A_40, %add3A_42 : vector<1x320xf32>
    %log3A = math.log %add3A_43 : vector<1x320xf32>
    %mul3A = arith.mulf %div3A_40, %log3A : vector<1x320xf32>
    %reduce_sum3A_44 = vector.shape_cast %mul3A : vector<1x320xf32> to vector<1x1x320xf32>
    %reduce_sum3A_45 = arith.constant dense<0.000000e+00> : vector<1xf32>
    %reduce_sum3A_46 = vector.multi_reduction <add>, %reduce_sum3A_44, %reduce_sum3A_45 [1, 2] : vector<1x1x320xf32> to vector<1xf32>
    %reduce_sum3A_47 = vector.shape_cast %reduce_sum3A_46 : vector<1xf32> to vector<1x1x1xf32>
    %reduce_sum3A_48 = vector.extract %reduce_sum3A_47[0, 0, 0] : f32 from vector<1x1x1xf32>
    %sub3A_49 = arith.constant 0.000000e+00 : f32
    %sub3A_50 = arith.subf %sub3A_49, %reduce_sum3A_48 : f32
    %slice3A_51 = vector.extract_strided_slice %add3A_13 {offsets = [0, 320], sizes = [256, 320], strides = [1, 1]} : vector<256x640xf32> to vector<256x320xf32>
    %reduce_max3A_52 = arith.constant dense<0xFF800000> : vector<256xf32>
    %reduce_max3A_53 = vector.multi_reduction <maximumf>, %slice3A_51, %reduce_max3A_52 [1] : vector<256x320xf32> to vector<256xf32>
    %broadcast_in_dim3A_54 = vector.shape_cast %reduce_max3A_53 : vector<256xf32> to vector<256x1xf32>
    %iota3A_55 = tpu.iota {dimensions = array<i32: 1>} : vector<256x320xi32>
    %eq3A_56 = vector.broadcast %broadcast_in_dim3A_54 : vector<256x1xf32> to vector<256x320xf32>
    %eq3A_57 = arith.cmpf oeq, %slice3A_51, %eq3A_56 : vector<256x320xf32>
    %jit3A_58 = arith.constant 320 : i32
    %broadcast_in_dim3A_59 = vector.broadcast %jit3A_58 : i32 to vector<256x320xi32>
    %select_n3A_60 = arith.select %eq3A_57, %iota3A_55, %broadcast_in_dim3A_59 : vector<256x320xi1>, vector<256x320xi32>
    %reduce_min3A_61 = arith.constant dense<2147483647> : vector<256xi32>
    %reduce_min3A_62 = vector.multi_reduction <minsi>, %select_n3A_60, %reduce_min3A_61 [1] : vector<256x320xi32> to vector<256xi32>
    %add3A_63 = arith.constant 320 : i32
    %add3A_64 = vector.broadcast %add3A_63 : i32 to vector<256xi32>
    %add3A_65 = arith.addi %reduce_min3A_62, %add3A_64 : vector<256xi32>
    %swap3A_66 = arith.constant 1 : index
    %swap3A_67 = arith.constant 0 : index
    %swap3A_68 = vector.load %arg5[%swap3A_66, %swap3A_67] : memref<2x256xi32, #tpu.memory_space<vmem>>, vector<1x256xi32>
    %swap3A_69 = vector.shape_cast %swap3A_68 : vector<1x256xi32> to vector<256xi32>
    %swap3A_70 = vector.shape_cast %add3A_65 : vector<256xi32> to vector<1x256xi32>
    tpu.vector_store %arg5[%swap3A_66, %swap3A_67], %swap3A_70 {strides = array<i32>} : memref<2x256xi32, #tpu.memory_space<vmem>>, vector<1x256xi32>,
    %broadcast_in_dim3A_71 = vector.shape_cast %reduce_min3A_62 : vector<256xi32> to vector<256x1xi32>
    %eq3A_72 = vector.broadcast %broadcast_in_dim3A_71 : vector<256x1xi32> to vector<256x320xi32>
    %eq3A_73 = arith.cmpi eq, %iota3A_55, %eq3A_72 : vector<256x320xi32>
    %convert_element_type3A_74 = arith.extui %eq3A_73 : vector<256x320xi1> to vector<256x320xi32>
    %convert_element_type3A_75 = arith.sitofp %convert_element_type3A_74 : vector<256x320xi32> to vector<256x320xf32>
    %reduce_sum3A_76 = arith.constant dense<0.000000e+00> : vector<320xf32>
    %reduce_sum3A_77 = vector.multi_reduction <add>, %convert_element_type3A_75, %reduce_sum3A_76 [0] : vector<256x320xf32> to vector<320xf32>
    %broadcast_in_dim3A_78 = vector.shape_cast %reduce_sum3A_77 : vector<320xf32> to vector<1x320xf32>
    %reduce_max3A_79 = arith.constant dense<0xFF800000> : vector<1xf32>
    %reduce_max3A_80 = vector.multi_reduction <maximumf>, %broadcast_in_dim3A_78, %reduce_max3A_79 [1] : vector<1x320xf32> to vector<1xf32>
    %max3A_81 = arith.constant 0xFF800000 : f32
    %max3A_82 = vector.broadcast %max3A_81 : f32 to vector<1xf32>
    %max3A_83 = arith.maximumf %max3A_82, %reduce_max3A_80 : vector<1xf32>
    %broadcast_in_dim3A_84 = vector.shape_cast %max3A_83 : vector<1xf32> to vector<1x1xf32>
    %sub3A_85 = vector.broadcast %broadcast_in_dim3A_84 : vector<1x1xf32> to vector<1x320xf32>
    %sub3A_86 = arith.subf %broadcast_in_dim3A_78, %sub3A_85 : vector<1x320xf32>
    %exp3A_87 = math.exp %sub3A_86 : vector<1x320xf32>
    %reduce_sum3A_88 = arith.constant dense<0.000000e+00> : vector<1xf32>
    %reduce_sum3A_89 = vector.multi_reduction <add>, %exp3A_87, %reduce_sum3A_88 [1] : vector<1x320xf32> to vector<1xf32>
    %broadcast_in_dim3A_90 = vector.shape_cast %reduce_sum3A_89 : vector<1xf32> to vector<1x1xf32>
    %div3A_91 = vector.broadcast %broadcast_in_dim3A_90 : vector<1x1xf32> to vector<1x320xf32>
    %div3A_92 = arith.divf %exp3A_87, %div3A_91 : vector<1x320xf32>
    %add3A_93 = arith.constant 9.99999993E-9 : f32
    %add3A_94 = vector.broadcast %add3A_93 : f32 to vector<1x320xf32>
    %add3A_95 = arith.addf %div3A_92, %add3A_94 : vector<1x320xf32>
    %log3A_96 = math.log %add3A_95 : vector<1x320xf32>
    %mul3A_97 = arith.mulf %div3A_92, %log3A_96 : vector<1x320xf32>
    %reduce_sum3A_98 = vector.shape_cast %mul3A_97 : vector<1x320xf32> to vector<1x1x320xf32>
    %reduce_sum3A_99 = arith.constant dense<0.000000e+00> : vector<1xf32>
    %reduce_sum3A_100 = vector.multi_reduction <add>, %reduce_sum3A_98, %reduce_sum3A_99 [1, 2] : vector<1x1x320xf32> to vector<1xf32>
    %reduce_sum3A_101 = vector.shape_cast %reduce_sum3A_100 : vector<1xf32> to vector<1x1x1xf32>
    %reduce_sum3A_102 = vector.extract %reduce_sum3A_101[0, 0, 0] : f32 from vector<1x1x1xf32>
    %sub3A_103 = arith.subf %sub3A_50, %reduce_sum3A_102 : f32
    %div3A_104 = arith.constant 6.400000e+02 : f32
    %div3A_105 = arith.divf %sub3A_103, %div3A_104 : f32
    %reshape3A = vector.broadcast %div3A_105 : f32 to vector<1x1xf32>
    %eq3A_106 = arith.constant 0 : i32
    %eq3A_107 = arith.cmpi eq, %arg0, %eq3A_106 : i32
    %convert_element_type3A_108 = arith.extui %eq3A_107 : i1 to i32
    %cond3A = arith.constant 0 : i32
    %cond3A_109 = arith.cmpi ne, %convert_element_type3A_108, %cond3A : i32
    scf.if %cond3A_109 {
      %swap3A_114 = arith.constant 0 : index
      %swap3A_115 = arith.constant 0 : index
      %swap3A_116 = vector.load %arg6[%swap3A_114, %swap3A_115] : memref<1x1xf32, #tpu.memory_space<vmem>>, vector<1x1xf32>
      tpu.vector_store %arg6[%swap3A_114, %swap3A_115], %reshape3A {strides = array<i32>} : memref<1x1xf32, #tpu.memory_space<vmem>>, vector<1x1xf32>,
    } else {
    }
    %gt3A = arith.constant 0 : i32
    %gt3A_110 = arith.cmpi sgt, %arg0, %gt3A : i32
    %convert_element_type3A_111 = arith.extui %gt3A_110 : i1 to i32
    %cond3A_112 = arith.constant 0 : i32
    %cond3A_113 = arith.cmpi ne, %convert_element_type3A_111, %cond3A_112 : i32
    scf.if %cond3A_113 {
      %get3A_114 = arith.constant 0 : index
      %get3A_115 = arith.constant 0 : index
      %get3A_116 = vector.load %arg6[%get3A_114, %get3A_115] : memref<1x1xf32, #tpu.memory_space<vmem>>, vector<1x1xf32>
      %add3A_117 = arith.addf %get3A_116, %reshape3A : vector<1x1xf32>
      %swap3A_118 = arith.constant 0 : index
      %swap3A_119 = arith.constant 0 : index
      %swap3A_120 = vector.load %arg6[%swap3A_118, %swap3A_119] : memref<1x1xf32, #tpu.memory_space<vmem>>, vector<1x1xf32>
      tpu.vector_store %arg6[%swap3A_118, %swap3A_119], %add3A_117 {strides = array<i32>} : memref<1x1xf32, #tpu.memory_space<vmem>>, vector<1x1xf32>,
    } else {
    }
    return
  }
  func.func @transform_0(%arg0: i32) -> (i32, i32) {
    %c0_i32 = arith.constant 0 : i32
    %c0_i32_0 = arith.constant 0 : i32
    return %arg0, %c0_i32 : i32, i32
  }
  func.func @transform_1(%arg0: i32) -> (i32, i32) {
    %c0_i32 = arith.constant 0 : i32
    %c0_i32_0 = arith.constant 0 : i32
    %c0_i32_1 = arith.constant 0 : i32
    return %c0_i32, %c0_i32_0 : i32, i32
  }
  func.func @transform_2(%arg0: i32) -> (i32, i32) {
    %c0_i32 = arith.constant 0 : i32
    %c0_i32_0 = arith.constant 0 : i32
    %c0_i32_1 = arith.constant 0 : i32
    return %c0_i32, %c0_i32_0 : i32, i32
  }
  func.func @transform_3(%arg0: i32) -> (i32, i32) {
    %c0_i32 = arith.constant 0 : i32
    %c0_i32_0 = arith.constant 0 : i32
    return %arg0, %c0_i32 : i32, i32
  }
  func.func @transform_4(%arg0: i32) -> (i32, i32) {
    %c0_i32 = arith.constant 0 : i32
    %c0_i32_0 = arith.constant 0 : i32
    return %c0_i32, %arg0 : i32, i32
  }
  func.func @transform_5(%arg0: i32) -> (i32, i32) {
    %c0_i32 = arith.constant 0 : i32
    %c0_i32_0 = arith.constant 0 : i32
    %c0_i32_1 = arith.constant 0 : i32
    return %c0_i32, %c0_i32_0 : i32, i32
  }
}

</mosaic_0001>

<sc_bundles>
// kernel: kernel.4.cloned.1.call-start
scs
__scs_entry_jumppad:
0x0: {  	(pc) =	sbr.rel $0x88, $3  }
0x1: {  	(tag) =	ssettag $0x0;
	lr =	simm.s32 $0x1  }
0x2: {  	[smem:$0x3F9D] =	sst lr;
	_ =	strace $0xD0000000  }
0x3: {  	_ = 	snop  }
0x4: {  	_ = 	snop  }
0x5: {  	_ = 	snop  }
0x6: {  	_ = 	snop  }
0x7: {  	_ = 	snop  }
__scs_overlays_trampoline_lowered:
0x8: {  	[smem:$0x3FAC] =	sst s0  }
0x9: {  	[smem:$0x3FAD] =	sst s1  }
0xa: {  	[smem:$0x3FAE] =	sst s2  }
0xb: {  	[smem:$0x3FAF] =	sst s3  }
0xc: {  	[smem:$0x3FB0] =	sst s4  }
0xd: {  	[smem:$0x3FB1] =	sst s5  }
0xe: {  	[smem:$0x3FB2] =	sst s6  }
0xf: {  	[smem:$0x3FB3] =	sst s7  }
0x10: {  	[smem:$0x3FB4] =	sst s8  }
0x11: {  	[smem:$0x3FB5] =	sst s9;
	s0 =	simm.s32 @!p0 $0x0  }
0x12: {  	s1 =	sld [smem:$0x3F9B];
	s0 =	simm.s32 @p0 $0x1  }
0x13: {  	[smem:$0x3FB6] =	sst s0;
	s0 =	simm.s32 @!p1 $0x0  }
0x14: {  	s2 =	sld [smem:$0x3F9A];
	s0 =	simm.s32 @p1 $0x1  }
0x15: {  	[smem:$0x3FB7] =	sst s0;
	s0 =	simm.s32 @!p2 $0x0  }
0x16: {  	s3 =	sld [smem:$0x3FDB];
	s0 =	simm.s32 @p2 $0x1  }
0x17: {  	s4 =	simm.s32 $0x1BF5;
	[smem:$0x3FB9] =	sst s0  }
0x18: {  	s0 =	sld [smem:$0x3F9C];
	_ =	swait.ge [sflag:s4], $0x0  }
0x19: {  	s7 =	sld [smem:$0x3F9D]  }
0x1a: {  	s8 =	sadd.s32 $0xFFFFE003, lr  }
0x1b: {  	s9 =	sadd.s32 $0xFFFFFEF7, lr;
	s5 =	simm.s32 $0xFFFFFFFF;
	p2 =	slt.u32 s8, $0xFFFFF086  }
0x1c: {  	p1 =	slt.u32 s9, $0xF7A;
	s5 =	simm.s32 @!p2 $0x0  }
0x1d: {  	s5 =	simm.s32 @p1 $0x1;
	p0 =	seq.s32 s7, s2  }
0x1e: {  	s7 =	smul.u32 @!p0 $0xF7A, s2;
	p2 =	seq.s32 @!p0 s5, $0x0  }
0x1f: {  	s9 =	smul.u32 $0xF7A, s1;
	s8 =	simm.s32 @!p0 $0x1BF5;
	p2 =	por !p2, p0  }
0x20: {  	[sflag:s8] =	ssyncset.s32 @!p0 $0xFFFFF086;
	s6 =	sadd.s32 @!p0 s3, s7;
	s7 =	simm.s32 @!p0 $0x108  }
0x21: {  	s3 =	sadd.s32 s3, s9;
	s6 =	sadd.s32 @!p0 $0x88, s6;
	s7 =	simm.s32 @p2 $0x1082  }
0x22: {  	[simem:s7], [sflag:s8] =	dma.local @!p0 [hbm:s6], $0xF7A  }
0x23: {  	s9 =	sor.u32 $0xD0000000, s2;
	s6 =	simm.s32 $0x108;
	_ =	swait.ge @!p0 [sflag:s8], $0x0  }
0x24: {  	s3 =	sadd.s32 $0x88, s3;
	s6 =	simm.s32 @!p1 $0x1082;
	[sflag:s4] =	ssyncset.s32 $0xFFFFF086  }
0x25: {  	[simem:s6], [sflag:s4] =	dma.local [hbm:s3], $0xF7A  }
0x26: {  	[smem:$0x3F9D] =	sst s1;
	(tag) =	ssettag s2;
	_ =	strace s9  }
0x27: {  	s1 =	sld [smem:$0x3FAD]  }
0x28: {  	s2 =	sld [smem:$0x3FAE]  }
0x29: {  	s4 =	sld [smem:$0x3FB0]  }
0x2a: {  	p0 =	seq.s32 s5, $0x0;
	s5 =	sld [smem:$0x3FB1]  }
0x2b: {  	s6 =	sld [smem:$0x3FB2]  }
0x2c: {  	s7 =	sld [smem:$0x3FB3]  }
0x2d: {  	s3 =	simm.s32 $0x108;
	s8 =	sld [smem:$0x3FB4]  }
0x2e: {  	s3 =	simm.s32 @!p0 $0x1082;
	s9 =	sld [smem:$0x3FB5]  }
0x2f: {  	lr =	sadd.s32 s0, s3;
	s0 =	sld [smem:$0x3FAC]  }
0x30: {  	s3 =	sld [smem:$0x3FAF]  }
0x31: {  	[smem:$0x3FB8] =	sst s10  }
0x32: {  	s10 =	sld [smem:$0x3FB6];
	_ =	sdelay $0x3  }
0x33: {  	p0 =	seq.s32 s10, $0x1;
	s10 =	sld [smem:$0x3FB8];
	_ =	sdelay $0x3  }
0x34: {  	[smem:$0x3FB8] =	sst s10  }
0x35: {  	s10 =	sld [smem:$0x3FB7];
	_ =	sdelay $0x3  }
0x36: {  	p1 =	seq.s32 s10, $0x1;
	s10 =	sld [smem:$0x3FB8];
	_ =	sdelay $0x3  }
0x37: {  	[smem:$0x3FB8] =	sst s10  }
0x38: {  	s10 =	sld [smem:$0x3FB9]  }
0x39: {  	_ = 	snop;
	(pc) =	sbr.ind lr, $3  }
0x3a: {  	_ = 	snop  }
0x3b: {  	_ = 	snop  }
0x3c: {  	p2 =	seq.s32 s10, $0x1;
	s10 =	sld [smem:$0x3FB8]  }
0x3d: {  	_ =	shalt  }
0x3e: {  	_ =	shalt  }
0x3f: {  	_ =	shalt  }
0x40: {  	_ =	shalt  }
0x41: {  	_ =	shalt  }
0x42: {  	_ =	shalt  }
0x43: {  	_ =	shalt  }
0x44: {  	_ =	shalt  }
0x45: {  	_ =	shalt  }
0x46: {  	_ =	shalt  }
0x47: {  	_ =	shalt  }
0x48: {  	_ =	shalt  }
0x49: {  	_ =	shalt  }
0x4a: {  	_ =	shalt  }
0x4b: {  	_ =	shalt  }
0x4c: {  	_ =	shalt  }
0x4d: {  	_ =	shalt  }
0x4e: {  	_ =	shalt  }
0x4f: {  	_ =	shalt  }
0x50: {  	_ =	shalt  }
0x51: {  	_ =	shalt  }
0x52: {  	_ =	shalt  }
0x53: {  	_ =	shalt  }
0x54: {  	_ =	shalt  }
0x55: {  	_ =	shalt  }
0x56: {  	_ =	shalt  }
0x57: {  	_ =	shalt  }
0x58: {  	_ =	shalt  }
0x59: {  	_ =	shalt  }
0x5a: {  	_ =	shalt  }
0x5b: {  	_ =	shalt  }
0x5c: {  	_ =	shalt  }
0x5d: {  	_ =	shalt  }
0x5e: {  	_ =	shalt  }
0x5f: {  	_ =	shalt  }
0x60: {  	_ =	shalt  }
0x61: {  	_ =	shalt  }
0x62: {  	_ =	shalt  }
0x63: {  	_ =	shalt  }
0x64: {  	_ =	shalt  }
0x65: {  	_ =	shalt  }
0x66: {  	_ =	shalt  }
0x67: {  	_ =	shalt  }
0x68: {  	_ =	shalt  }
0x69: {  	_ =	shalt  }
0x6a: {  	_ =	shalt  }
0x6b: {  	_ =	shalt  }
0x6c: {  	_ =	shalt  }
0x6d: {  	_ =	shalt  }
0x6e: {  	_ =	shalt  }
0x6f: {  	_ =	shalt  }
0x70: {  	_ =	shalt  }
0x71: {  	_ =	shalt  }
0x72: {  	_ =	shalt  }
0x73: {  	_ =	shalt  }
0x74: {  	_ =	shalt  }
0x75: {  	_ =	shalt  }
0x76: {  	_ =	shalt  }
0x77: {  	_ =	shalt  }
0x78: {  	_ =	shalt  }
0x79: {  	_ =	shalt  }
0x7a: {  	_ =	shalt  }
0x7b: {  	_ =	shalt  }
0x7c: {  	_ =	shalt  }
0x7d: {  	_ =	shalt  }
0x7e: {  	_ =	shalt  }
0x7f: {  	_ =	shalt  }
0x80: {  	_ =	shalt  }
0x81: {  	_ =	shalt  }
0x82: {  	_ =	shalt  }
0x83: {  	_ =	shalt  }
0x84: {  	_ =	shalt  }
0x85: {  	_ =	shalt  }
0x86: {  	_ =	shalt  }
0x87: {  	_ =	shalt  }
.Lfunc_end0:
.L_simem_size_0:
called_computation_lowered:
.L_overlay_start_0:
0x88: {  	s2 =	sld [smem:$0x3FD9]  }
0x89: {  	s3 =	sld [smem:$0x3FFE];
	_ =	sdelay $0x1  }
0x8a: {  	s1 =	srdreg.scid  }
0x8b: {  	s0 =	sand.u32 $0x1, s1  }
0x8c: {  	s14 =	sshll.u32 s0, $0xA;
	s2 =	sadd.s32 s3, s2  }
0x8d: {  	s2 =	sadd.s32 s2, s14  }
0x8e: {  	[smem:$0x3FC4] =	sst s2  }
0x8f: {  	_ = 	snop  }
0x90: {  	s2 =	sld [smem:$0x3FD0];
	_ =	sdelay $0x2  }
0x91: {  	s4 =	simm.s32 $0xA;
	s5 =	simm.s32 $0x10;
	s15 =	sld [smem:$0x3FC6]  }
0x92: {  	[smem:s5], [sflag:s4] =	dma.local [hbm:s2], $0x1  }
0x93: {  	_ =	swait.eq [sflag:s4], $0x1  }
0x94: {  	[sflag:s4] =	ssyncset.done $0x0  }
0x95: {  	[sflag:s4] =	ssyncadd.s32 $0xFFFFFFFF  }
0x96: {  	s16 =	sld [smem:$0x10];
	(tm) =	ssettm $0x1  }
0x97: {  	s17 =	sld [smem:$0x3FFB];
	_ =	sdelay $0x3  }
0x98: {  	_ =	strace s17  }
0x99: {  	s4 =	sld [smem:$0x3FFC];
	_ =	sdelay $0x3  }
0x9a: {  	_ =	strace s4  }
0x9b: {  	s4 =	sld [smem:$0x3FFD];
	_ =	sdelay $0x3  }
0x9c: {  	_ =	strace s4  }
0x9d: {  	_ =	strace $0x8FFFFFFF  }
0x9e: {  	s18 =	sld [smem:$0x3FDB];
	_ =	sdelay $0x1  }
0x9f: {  	s19 =	simm.s32 $_scs_section_size  }
0xa0: {  	s6 =	simm.s32 $_size__tile_overlayer_lowered;
	s7 =	simm.s32 $_tile_overlayer_lowered  }
0xa1: {  	s22 =	simm.s32 $0x1BFF;
	s21 =	sshll.u32 s7, $0x1;
	s4 =	sadd.s32 s19, s18  }
0xa2: {  	s8 =	simm.s32 $0x0;
	s20 =	sshll.u32 s6, $0x1;
	s6 =	sadd.s32 s21, s4  }
0xa3: {  	[timem:s8], [sflag:s22] =	dma.local [hbm:s6], s20  }
0xa4: {  	_ =	swait.ge [sflag:s22], s20  }
0xa5: {  	s5 =	ssub.s32 $0x0, s20;
	[sflag:s22] =	ssyncset.done $0x0  }
0xa6: {  	[sflag:s22] =	ssyncadd.s32 s5;
	_ =	sdelay $0x1  }
0xa7: {  	s23 =	simm.s32 $0x1B8B  }
0xa8: {  	_ =	swait.ge [sflag:s23], $0x1  }
0xa9: {  	[sflag:s23] =	ssyncset.done $0x0  }
0xaa: {  	s25 =	simm.s32 $0x1B8E;
	s24 =	sld [smem:$0x3FFE];
	[sflag:s23] =	ssyncadd.s32 $0xFFFFFFFF  }
0xab: {  	s26 =	simm.s32 $execute0_lowered;
	[smem:$0x3FD2] =	sst s25  }
0xac: {  	s6 =	sshll.u32 s26, $0x1;
	_ =	strace $0x80000046;
	[dreg:$0x1] =	wrdreg $0xFFFFFFFF  }
0xad: {  	s28 =	simm.s32 $_size_execute0_lowered;
	s4 =	sadd.s32 s4, s6;
	[dreg:$0x0] =	wrdreg $0x0  }
0xae: {  	s6 =	sshll.u32 s28, $0x1;
	[dreg:$0x2] =	wrdreg s4  }
0xaf: {  	[dreg:$0x3] =	wrdreg s6  }
0xb0: {  	[dreg:$0x4] =	wrdreg $0xC0  }
0xb1: {  	_ =	task [dreg:s8], $0x5FFFF  }
0xb2: {  	[dreg:$0x1] =	wrdreg $0xFFFFFFFF  }
0xb3: {  	[dreg:$0x0] =	wrdreg $0x60  }
0xb4: {  	[dreg:$0x2] =	wrdreg s15  }
0xb5: {  	[dreg:$0x3] =	wrdreg s16  }
0xb6: {  	[dreg:$0x4] =	wrdreg s24  }
0xb7: {  	[dreg:$0x5] =	wrdreg $0x9  }
0xb8: {  	_ =	task.clear_ibuf [dreg:s8], $0x6FFFF;
	_ =	strace $0x90000046  }
0xb9: {  	s29 =	simm.s32 $0x9;
	_ =	strace $0x80000048  }
0xba: {  	_ =	swait.ge [sflag:s29], $0x1  }
0xbb: {  	[sflag:s29] =	ssyncadd.s32 $0xFFFFFFFF  }
0xbc: {  	_ =	strace $0x90000048  }
0xbd: {  	_ =	sfence  }
0xbe: {  	s30 =	sld [smem:$0x0];
	_ =	sdelay $0x2  }
0xbf: {  	s31 =	sshll.u32 s1, $0xD;
	s1 =	sshrl.u32 s1, $0x2  }
0xc0: {  	s3 =	sand.u32 $0x4000, s31;
	s1 =	sadd.s32 s1, s30  }
0xc1: {  	s0 =	sor.u32 s3, s0;
	s1 =	sshll.u32 s1, $0x11  }
0xc2: {  	s0 =	sor.u32 s1, s0  }
0xc3: {  	s0 =	sadd.s32 $0x8F2B, s0  }
0xc4: {  	[sflag:s0] =	ssyncadd.remote.s32 $0x1  }
0xc5: {  	_ =	sfence.sel $0xFFFF  }
0xc6: {  	[dreg:$0x0] =	wrdreg $0xFFFFFFFF;
	(pc) =	sbr.abs _section_cstart, $3  }
0xc7: {  	[dreg:$0x1] =	wrdreg $0xFFFFFFFF  }
0xc8: {  	_ =	task.clear_ibuf [dreg:s8], $0x2FFFF;
	_ =	strace $0x9FFFFFFF  }
0xc9: {  	(tm) =	ssettm $0x7FFFFFFF  }
tec
execute0_lowered:
.L_overlay_start_1:
0x0: {  	(tag) =	ssettag $0x1  }
0x1: {  	s2 =	srdreg.scid;
	s1 =	rddreg [dreg:$0x0]  }
0x2: {  	s0 =	stileid.u32;
	s4 =	rddreg [dreg:$0x1]  }
0x3: {  	s6 =	rddreg [dreg:$0x2];
	s18 =	simm.s32 $0x880;
	s19 =	simm.s32 $0xC80  }
0x4: {  	s20 =	simm.s32 $0x1480;
	s21 =	simm.s32 $0x1880;
	s23 =	simm.s32 $0x2080  }
0x5: {  	s24 =	simm.s32 $0x2480;
	s25 =	simm.s32 $0x2C80;
	s2 =	sand.u32 $0x1, s2  }
0x6: {  	s26 =	simm.s32 $0x3080;
	s3 =	sshll.u32 s0, $0x5;
	s5 =	sshll.u32 s2, $0x4  }
0x7: {  	s9 =	simm.s32 $0x3C80;
	s5 =	sor.u32 s5, s3;
	s3 =	simm.s32 $0x0  }
0x8: {  	s10 =	simm.s32 $0x4480;
	[smem:$0x7FF] =	sst s3;
	s4 =	sadd.s32 s4, s5  }
0x9: {  	s11 =	simm.s32 $0x4880;
	_ =	strace $0x80000047;
	[dreg:$0x4] =	wrdreg s4  }
0xa: {  	s12 =	simm.s32 $0x5080;
	s13 =	simm.s32 $0x5480;
	[dreg:$0x6] =	wrdreg s18  }
0xb: {  	s14 =	simm.s32 $0x5C80;
	s15 =	simm.s32 $0x6080;
	[dreg:$0x7] =	wrdreg s19  }
0xc: {  	s16 =	simm.s32 $0x6880;
	s28 =	simm.s32 $0xA880;
	[dreg:$0x8] =	wrdreg s20  }
0xd: {  	s29 =	simm.s32 $0xB080;
	s30 =	simm.s32 $0xB480;
	[dreg:$0x9] =	wrdreg s21  }
0xe: {  	s31 =	simm.s32 $0xBC80;
	s2 =	ssub.s32 $0x2, s2;
	[dreg:$0xa] =	wrdreg s23  }
0xf: {  	s22 =	sshrl.u32 s2, $0x1;
	s7 =	smul.u32 $0x180, s5;
	[dreg:$0xb] =	wrdreg s24  }
0x10: {  	s2 =	ssub.s32 s2, s22;
	s22 =	simm.s32 $0x8C80;
	[dreg:$0xc] =	wrdreg s25  }
0x11: {  	s4 =	sadd.s32 $0x100, s1;
	s5 =	smax.u32 s2, $0x1;
	[dreg:$0xd] =	wrdreg s26  }
0x12: {  	s18 =	simm.s32 $0x7480;
	s19 =	simm.s32 $0x7880;
	s20 =	simm.s32 $0x8080  }
0x13: {  	s21 =	simm.s32 $0x8480;
	s23 =	simm.s32 $0x9080;
	s24 =	simm.s32 $0x9880  }
0x14: {  	v2 =	vlaneseq.u32;
	s25 =	simm.s32 $0x9C80;
	s26 =	simm.s32 $0xA480;
	s6 =	sadd.s32 s7, s6  }
0x15: {  	vm0 =	vmmov $0xffff;
	vm1 =	vmmov $0xff;
	v1 =	vshrl.u32 v2, $0x3;
	s2 =	simm.s32 $0x1;
	s7 =	simm.s32 $0x80;
	s17 =	sadd.s32 $0xC00, s6  }
0x16: {  	v0 =	vand.u32 $0x7, v2;
	v2 =	vor.u32 $0x8, v2;
	v1 =	vmul.u32 $0x8, v1;
	s6 =	simm.s32 $0x2;
	[dreg:$0x5] =	wrdreg s17;
	s17 =	simm.s32 $0x6C80  }
.LBB2_1:
0x17: {  	s0 =	rddreg [dreg:$0x4]  }
0x18: {  	[tilespmem:s3], [sflag:$0x2] =	stream.linear.gather [hbm4b:s0+s3], $0x80, $0x38;
	[tilespmem:$0xC080] =	vst v63  }
0x19: {  	_ =	swait.ge [sflag:s6], $0x80  }
0x1a: {  	[sflag:s6] =	ssyncset.done $0x0  }
0x1b: {  	[sflag:s6] =	ssyncadd.s32 $0xFFFFFF80  }
0x1c: {  	v3 =	vld [tilespmem:$0x0];
	_ =	sdelay $0x4  }
0x1d: {  	v4 =	vshrl.u32 v3, $0x3  }
0x1e: {  	v4 =	vmul.u32 $0x18, v4  }
0x1f: {  	v3 =	vand.u32 $0x7, v3  }
0x20: {  	v3 =	vor.u32 v3, v4  }
0x21: {  	v4 =	vperm.xlane v3, v0;
	_ =	sdelay $0x1  }
0x22: {  	v4 =	vadd.s32 v1, v4;
	_ =	sdelay $0x1  }
0x23: {  	v3 =	vperm.xlane v3, v2;
	_ =	sdelay $0x1  }
0x24: {  	v3 =	vadd.s32 v1, v3  }
0x25: {  	[tilespmem:s7], [sflag:$0x1] =	stream.indirect_vreg.gather [hbm4b:s1+s3], $0x80, v4, vm0, $0xb8;
	[tilespmem:$0xC080] =	vst v63  }
0x26: {  	s0 =	rddreg [dreg:$0x6]  }
0x27: {  	[tilespmem:s0], [sflag:$0x1] =	stream.indirect_vreg.gather [hbm4b:s4+s3], $0x80, v4, vm1, $0xb8;
	[tilespmem:$0xC080] =	vst v63  }
0x28: {  	s8 =	rddreg [dreg:$0x7]  }
0x29: {  	[tilespmem:s8], [sflag:$0x1] =	stream.indirect_vreg.gather [hbm4b:s1+s3], $0x80, v3, vm0, $0xb8;
	[tilespmem:$0xC080] =	vst v63  }
0x2a: {  	s0 =	rddreg [dreg:$0x8]  }
0x2b: {  	[tilespmem:s0], [sflag:$0x1] =	stream.indirect_vreg.gather [hbm4b:s4+s3], $0x80, v3, vm1, $0xb8;
	[tilespmem:$0xC080] =	vst v63  }
0x2c: {  	v3 =	vld [tilespmem:$0x10];
	_ =	sdelay $0x4  }
0x2d: {  	v57 =	vshrl.u32 v3, $0x3  }
0x2e: {  	v4 =	vmul.u32 $0x18, v57  }
0x2f: {  	v3 =	vand.u32 $0x7, v3  }
0x30: {  	v3 =	vor.u32 v3, v4  }
0x31: {  	v4 =	vperm.xlane v3, v0;
	_ =	sdelay $0x1  }
0x32: {  	v4 =	vadd.s32 v1, v4;
	_ =	sdelay $0x1  }
0x33: {  	v3 =	vperm.xlane v3, v2;
	_ =	sdelay $0x1  }
0x34: {  	s0 =	rddreg [dreg:$0x9];
	v3 =	vadd.s32 v1, v3  }
0x35: {  	[tilespmem:s0], [sflag:$0x1] =	stream.indirect_vreg.gather [hbm4b:s1+s3], $0x80, v4, vm0, $0xb8;
	[tilespmem:$0xC080] =	vst v63  }
0x36: {  	s8 =	rddreg [dreg:$0xa]  }
0x37: {  	[tilespmem:s8], [sflag:$0x1] =	stream.indirect_vreg.gather [hbm4b:s4+s3], $0x80, v4, vm1, $0xb8;
	[tilespmem:$0xC080] =	vst v63  }
0x38: {  	s0 =	rddreg [dreg:$0xb]  }
0x39: {  	[tilespmem:s0], [sflag:$0x1] =	stream.indirect_vreg.gather [hbm4b:s1+s3], $0x80, v3, vm0, $0xb8;
	[tilespmem:$0xC080] =	vst v63  }
0x3a: {  	s8 =	rddreg [dreg:$0xc]  }
0x3b: {  	[tilespmem:s8], [sflag:$0x1] =	stream.indirect_vreg.gather [hbm4b:s4+s3], $0x80, v3, vm1, $0xb8;
	[tilespmem:$0xC080] =	vst v63  }
0x3c: {  	v3 =	vld [tilespmem:$0x20];
	_ =	sdelay $0x4  }
0x3d: {  	v58 =	vshrl.u32 v3, $0x3  }
0x3e: {  	v4 =	vmul.u32 $0x18, v58  }
0x3f: {  	v3 =	vand.u32 $0x7, v3  }
0x40: {  	v3 =	vor.u32 v3, v4  }
0x41: {  	v4 =	vperm.xlane v3, v0;
	_ =	sdelay $0x1  }
0x42: {  	v4 =	vadd.s32 v1, v4;
	_ =	sdelay $0x1  }
0x43: {  	v3 =	vperm.xlane v3, v2;
	_ =	sdelay $0x1  }
0x44: {  	s8 =	rddreg [dreg:$0xd];
	v3 =	vadd.s32 v1, v3  }
0x45: {  	[tilespmem:s8], [sflag:$0x1] =	stream.indirect_vreg.gather [hbm4b:s1+s3], $0x80, v4, vm0, $0xb8;
	[tilespmem:$0xC080] =	vst v63  }
0x46: {  	s8 =	simm.s32 $0x3880  }
0x47: {  	[tilespmem:s8], [sflag:$0x1] =	stream.indirect_vreg.gather [hbm4b:s4+s3], $0x80, v4, vm1, $0xb8;
	[tilespmem:$0xC080] =	vst v63  }
0x48: {  	_ = 	snop  }
0x49: {  	[tilespmem:s9], [sflag:$0x1] =	stream.indirect_vreg.gather [hbm4b:s1+s3], $0x80, v3, vm0, $0xb8;
	[tilespmem:$0xC080] =	vst v63  }
0x4a: {  	_ = 	snop  }
0x4b: {  	[tilespmem:s10], [sflag:$0x1] =	stream.indirect_vreg.gather [hbm4b:s4+s3], $0x80, v3, vm1, $0xb8;
	[tilespmem:$0xC080] =	vst v63  }
0x4c: {  	v3 =	vld [tilespmem:$0x30];
	_ =	sdelay $0x4  }
0x4d: {  	v59 =	vshrl.u32 v3, $0x3  }
0x4e: {  	v4 =	vmul.u32 $0x18, v59  }
0x4f: {  	v3 =	vand.u32 $0x7, v3  }
0x50: {  	v3 =	vor.u32 v3, v4  }
0x51: {  	v4 =	vperm.xlane v3, v0;
	_ =	sdelay $0x1  }
0x52: {  	v4 =	vadd.s32 v1, v4;
	_ =	sdelay $0x1  }
0x53: {  	v3 =	vperm.xlane v3, v2;
	_ =	sdelay $0x1  }
0x54: {  	v3 =	vadd.s32 v1, v3  }
0x55: {  	[tilespmem:s11], [sflag:$0x1] =	stream.indirect_vreg.gather [hbm4b:s1+s3], $0x80, v4, vm0, $0xb8;
	[tilespmem:$0xC080] =	vst v63  }
0x56: {  	_ = 	snop  }
0x57: {  	[tilespmem:s12], [sflag:$0x1] =	stream.indirect_vreg.gather [hbm4b:s4+s3], $0x80, v4, vm1, $0xb8;
	[tilespmem:$0xC080] =	vst v63  }
0x58: {  	_ = 	snop  }
0x59: {  	[tilespmem:s13], [sflag:$0x1] =	stream.indirect_vreg.gather [hbm4b:s1+s3], $0x80, v3, vm0, $0xb8;
	[tilespmem:$0xC080] =	vst v63  }
0x5a: {  	_ = 	snop  }
0x5b: {  	[tilespmem:s14], [sflag:$0x1] =	stream.indirect_vreg.gather [hbm4b:s4+s3], $0x80, v3, vm1, $0xb8;
	[tilespmem:$0xC080] =	vst v63  }
0x5c: {  	v3 =	vld [tilespmem:$0x40];
	_ =	sdelay $0x4  }
0x5d: {  	v60 =	vshrl.u32 v3, $0x3  }
0x5e: {  	v4 =	vmul.u32 $0x18, v60  }
0x5f: {  	v3 =	vand.u32 $0x7, v3  }
0x60: {  	v3 =	vor.u32 v3, v4  }
0x61: {  	v4 =	vperm.xlane v3, v0;
	_ =	sdelay $0x1  }
0x62: {  	v4 =	vadd.s32 v1, v4;
	_ =	sdelay $0x1  }
0x63: {  	v3 =	vperm.xlane v3, v2;
	_ =	sdelay $0x1  }
0x64: {  	v3 =	vadd.s32 v1, v3  }
0x65: {  	[tilespmem:s15], [sflag:$0x1] =	stream.indirect_vreg.gather [hbm4b:s1+s3], $0x80, v4, vm0, $0xb8;
	[tilespmem:$0xC080] =	vst v63  }
0x66: {  	_ = 	snop  }
0x67: {  	[tilespmem:s16], [sflag:$0x1] =	stream.indirect_vreg.gather [hbm4b:s4+s3], $0x80, v4, vm1, $0xb8;
	[tilespmem:$0xC080] =	vst v63  }
0x68: {  	_ = 	snop  }
0x69: {  	[tilespmem:s17], [sflag:$0x1] =	stream.indirect_vreg.gather [hbm4b:s1+s3], $0x80, v3, vm0, $0xb8;
	[tilespmem:$0xC080] =	vst v63  }
0x6a: {  	_ = 	snop  }
0x6b: {  	[tilespmem:s18], [sflag:$0x1] =	stream.indirect_vreg.gather [hbm4b:s4+s3], $0x80, v3, vm1, $0xb8;
	[tilespmem:$0xC080] =	vst v63  }
0x6c: {  	v3 =	vld [tilespmem:$0x50];
	_ =	sdelay $0x4  }
0x6d: {  	v61 =	vshrl.u32 v3, $0x3  }
0x6e: {  	v4 =	vmul.u32 $0x18, v61  }
0x6f: {  	v3 =	vand.u32 $0x7, v3  }
0x70: {  	v3 =	vor.u32 v3, v4  }
0x71: {  	v4 =	vperm.xlane v3, v0;
	_ =	sdelay $0x1  }
0x72: {  	v4 =	vadd.s32 v1, v4;
	_ =	sdelay $0x1  }
0x73: {  	v3 =	vperm.xlane v3, v2;
	_ =	sdelay $0x1  }
0x74: {  	v3 =	vadd.s32 v1, v3  }
0x75: {  	[tilespmem:s19], [sflag:$0x1] =	stream.indirect_vreg.gather [hbm4b:s1+s3], $0x80, v4, vm0, $0xb8;
	[tilespmem:$0xC080] =	vst v63  }
0x76: {  	_ = 	snop  }
0x77: {  	[tilespmem:s20], [sflag:$0x1] =	stream.indirect_vreg.gather [hbm4b:s4+s3], $0x80, v4, vm1, $0xb8;
	[tilespmem:$0xC080] =	vst v63  }
0x78: {  	_ = 	snop  }
0x79: {  	[tilespmem:s21], [sflag:$0x1] =	stream.indirect_vreg.gather [hbm4b:s1+s3], $0x80, v3, vm0, $0xb8;
	[tilespmem:$0xC080] =	vst v63  }
0x7a: {  	_ = 	snop  }
0x7b: {  	[tilespmem:s22], [sflag:$0x1] =	stream.indirect_vreg.gather [hbm4b:s4+s3], $0x80, v3, vm1, $0xb8;
	[tilespmem:$0xC080] =	vst v63  }
0x7c: {  	v3 =	vld [tilespmem:$0x60];
	_ =	sdelay $0x4  }
0x7d: {  	v62 =	vshrl.u32 v3, $0x3  }
0x7e: {  	v4 =	vmul.u32 $0x18, v62  }
0x7f: {  	v3 =	vand.u32 $0x7, v3  }
0x80: {  	v3 =	vor.u32 v3, v4  }
0x81: {  	v4 =	vperm.xlane v3, v0;
	_ =	sdelay $0x1  }
0x82: {  	v4 =	vadd.s32 v1, v4;
	_ =	sdelay $0x1  }
0x83: {  	v3 =	vperm.xlane v3, v2;
	_ =	sdelay $0x1  }
0x84: {  	v3 =	vadd.s32 v1, v3  }
0x85: {  	[tilespmem:s23], [sflag:$0x1] =	stream.indirect_vreg.gather [hbm4b:s1+s3], $0x80, v4, vm0, $0xb8;
	[tilespmem:$0xC080] =	vst v63  }
0x86: {  	_ = 	snop  }
0x87: {  	[tilespmem:s24], [sflag:$0x1] =	stream.indirect_vreg.gather [hbm4b:s4+s3], $0x80, v4, vm1, $0xb8;
	[tilespmem:$0xC080] =	vst v63  }
0x88: {  	_ = 	snop  }
0x89: {  	[tilespmem:s25], [sflag:$0x1] =	stream.indirect_vreg.gather [hbm4b:s1+s3], $0x80, v3, vm0, $0xb8;
	[tilespmem:$0xC080] =	vst v63  }
0x8a: {  	_ = 	snop  }
0x8b: {  	[tilespmem:s26], [sflag:$0x1] =	stream.indirect_vreg.gather [hbm4b:s4+s3], $0x80, v3, vm1, $0xb8;
	[tilespmem:$0xC080] =	vst v63  }
0x8c: {  	v3 =	vld [tilespmem:$0x70];
	_ =	sdelay $0x4  }
0x8d: {  	v63 =	vshrl.u32 v3, $0x3  }
0x8e: {  	v4 =	vmul.u32 $0x18, v63  }
0x8f: {  	v3 =	vand.u32 $0x7, v3  }
0x90: {  	v3 =	vor.u32 v3, v4  }
0x91: {  	v4 =	vperm.xlane v3, v0;
	_ =	sdelay $0x1  }
0x92: {  	v4 =	vadd.s32 v1, v4;
	_ =	sdelay $0x1  }
0x93: {  	v3 =	vperm.xlane v3, v2;
	_ =	sdelay $0x1  }
0x94: {  	v3 =	vadd.s32 v1, v3  }
0x95: {  	[tilespmem:s28], [sflag:$0x1] =	stream.indirect_vreg.gather [hbm4b:s1+s3], $0x80, v4, vm0, $0xb8;
	[tilespmem:$0xC080] =	vst v63  }
0x96: {  	_ = 	snop  }
0x97: {  	[tilespmem:s29], [sflag:$0x1] =	stream.indirect_vreg.gather [hbm4b:s4+s3], $0x80, v4, vm1, $0xb8;
	[tilespmem:$0xC080] =	vst v63  }
0x98: {  	_ = 	snop  }
0x99: {  	[tilespmem:s30], [sflag:$0x1] =	stream.indirect_vreg.gather [hbm4b:s1+s3], $0x80, v3, vm0, $0xb8;
	[tilespmem:$0xC080] =	vst v63  }
0x9a: {  	_ = 	snop  }
0x9b: {  	[tilespmem:s31], [sflag:$0x1] =	stream.indirect_vreg.gather [hbm4b:s4+s3], $0x80, v3, vm1, $0xb8;
	[tilespmem:$0xC080] =	vst v63  }
0x9c: {  	_ =	swait.ge [sflag:s2], $0xC000  }
0x9d: {  	p0 =	sne.s32 s5, $0x1;
	[sflag:s2] =	ssyncset.done $0x0  }
.Ltmp0:
0x9e: {  	s8 =	rddreg [dreg:$0x5];
	[sflag:s2] =	ssyncadd.s32 $0xFFFF4000;
	(pc) =	sbr.rel @p0 .LBB2_1-.Ltmp0, $4  }
0x9f: {  	[hbm4b:s8+s3] =	stream.linear.scatter [tilespmem:s7], [sflag:$0x2], $0xC000, $0x38;
	[tilespmem:$0xC080] =	vst v63  }
0xa0: {  	_ =	swait.ge [sflag:s6], $0xC000  }
0xa1: {  	[sflag:s6] =	ssyncset.done $0x0  }
0xa2: {  	s5 =	sadd.s32 $0xFFFFFFFF, s5;
	[sflag:s6] =	ssyncadd.s32 $0xFFFF4000  }
0xa3: {  	_ =	sfence.sel $0x180000  }
0xa4: {  	[bflag:$0x0] =	sbarrier.arrive $0xFFFF  }
0xa5: {  	_ =	strace $0x90000047  }
0xa6: {  	s0 =	stileid.u32;
	[bflag:$0x2] =	sbarrier.arrive $0xFFFF  }
0xa7: {  	p0 =	sne.s32 s0, $0x0;
	s0 =	rddreg [dreg:$0x3]  }
0xa8: {  	s0 =	sadd.s32 @!p0 $0x100000, s0  }
0xa9: {  	[sflag:s0] =	ssyncadd.tile.s32 @!p0 $0x1;
	_ =	shalt  }
.Lfunc_end2:
_tile_overlayer_lowered:
.L_overlay_start_2:
0xaa: {  	(tag) =	ssettag $0x2  }
0xab: {  	s0 =	rddreg [dreg:$0x0];
	s2 =	stileid.u32  }
0xac: {  	s1 =	rddreg [dreg:$0x1];
	p0 =	sne.s32 s2, $0x0  }
0xad: {  	s3 =	rddreg [dreg:$0x2];
	[bflag:$0x3] =	sbarrier.arrive $0xFFFF;
	s2 =	simm.s32 @!p0 $0x1C02  }
0xae: {  	[timem:s3], [sflag:s2] =	dma.local @!p0 [hbm:s0], s1  }
0xaf: {  	s0 =	simm.s32 @!p0 $0x2  }
0xb0: {  	_ =	swait.ge @!p0 [sflag:s0], s1  }
0xb1: {  	s1 =	ssub.s32 @!p0 $0x0, s1;
	[sflag:s0] =	ssyncset.done @!p0 $0x0  }
0xb2: {  	[sflag:s0] =	ssyncadd.s32 @!p0 s1  }
0xb3: {  	[bflag:$0x3] =	sbarrier.arrive $0xFFFF  }
0xb4: {  	_ =	shalt  }

</sc_bundles>
